<compile_context>
chip_gen: v7x
topology: tpu7x:2x2x1
jax: 0.10.2.dev20260603
libtpu: 0.0.44.dev20260713+nightly
codegen_flags: <defaults>
</compile_context>

<pallas_src>
import jax
import jax.numpy as jnp
from jax import lax
from jax.experimental import pallas as pl
from jax.experimental.pallas import tpu as pltpu

_NUM_CLASSES = 80
_ROWS = 4


def _decode_body(anch_ref, in_ref, out_ref):
    yp = pl.program_id(0)
    v = in_ref[...]
    g = v.shape[1]
    b = v.shape[2]
    c5 = _NUM_CLASSES + 5
    ctot = v.shape[3]

    lane = lax.broadcasted_iota(jnp.int32, (v.shape[0], g, b, ctot), 3)
    cmod = lane % c5
    xf = lax.broadcasted_iota(jnp.int32, (v.shape[0], g, b, ctot), 1).astype(jnp.float32)
    y2 = lax.broadcasted_iota(jnp.int32, (v.shape[0], g, b, ctot), 0)
    yf = (y2 + v.shape[0] * yp).astype(jnp.float32)
    off = jnp.where(cmod == 0, xf, yf)
    inv_g = 1.0 / g

    aw = jnp.where(lane < c5, anch_ref[0],
                   jnp.where(lane < 2 * c5, anch_ref[2], anch_ref[4]))
    ah = jnp.where(lane < c5, anch_ref[1],
                   jnp.where(lane < 2 * c5, anch_ref[3], anch_ref[5]))
    scale = jnp.where(cmod == 2, aw, ah)

    sig = jax.nn.sigmoid(v)
    ex = sig / (1.0 - sig)
    dec = jnp.where(
        cmod < 2, (sig + off) * inv_g,
        jnp.where(cmod < 4, ex * scale, sig))
    dect = jnp.transpose(dec.reshape(v.shape[0] * g, b, ctot), (1, 0, 2))
    for a in range(ctot // c5):
        out_ref[:, a] = dect[:, :, a * c5:(a + 1) * c5]


def kernel(inputs, anchors):
    B = inputs.shape[0]
    G = inputs.shape[2]
    A = anchors.shape[0]
    C5 = _NUM_CLASSES + 5
    N = G * G

    xt = jnp.transpose(inputs, (2, 3, 0, 1))
    anch_flat = anchors.reshape(-1)

    grid_spec = pltpu.PrefetchScalarGridSpec(
        num_scalar_prefetch=1,
        grid=(G // _ROWS,),
        in_specs=[
            pl.BlockSpec((_ROWS, G, B, A * C5), lambda yp, s: (yp, 0, 0, 0)),
        ],
        out_specs=pl.BlockSpec((B, A, _ROWS * G, C5), lambda yp, s: (0, 0, yp, 0)),
    )

    out = pl.pallas_call(
        _decode_body,
        grid_spec=grid_spec,
        out_shape=jax.ShapeDtypeStruct((B, A, N, C5), jnp.float32),
    )(anch_flat, xt)

    return out.reshape(B, A * N, C5)

# --- scband reference (transcript-rebuilt; emitter-appended) ---
"""Pipeline reference for scband-yololayer-75076028334803 (READ-ONLY COPY).

The authoritative reference and input builder live on the scoring server;
editing this copy changes nothing except your own understanding.
"""

import jax, jax.numpy as jnp
import numpy as np

NUM_CLASSES = 80


def setup_inputs(seed: int = 0) -> dict:
    key = jax.random.key(seed)
    inputs = jax.random.normal(key, (16, 255, 52, 52), dtype=jnp.float32)
    anchors = jnp.array([[0.28, 0.22], [0.38, 0.48], [0.90, 0.78]], dtype=jnp.float32)
    return {"inputs": inputs, "anchors": anchors}


def reference(inputs, anchors):
    # Eval-mode YOLOLayer forward (inference decode path).
    B = inputs.shape[0]
    G = inputs.shape[2]
    A = anchors.shape[0]
    C = NUM_CLASSES
    # reshape [B, A*(C+5), G, G] -> [B, A, C+5, G, G] -> permute to [B, A, H, W, C+5]
    pred = inputs.reshape(B, A, C + 5, G, G).transpose(0, 1, 3, 4, 2)
    xy = jax.nn.sigmoid(pred[..., :2])   # in-place sigmoid on first 2 channels
    wh = pred[..., 2:4]
    conf = pred[..., 4:5]
    cls = pred[..., 5:]
    # anchors scaled by grid size (self.anchors * grid_size)
    anchors_g = anchors * G
    # get_abs_yolo_bbox: add grid-cell offsets to xy, exp(wh) * anchors
    gy, gx = jnp.meshgrid(jnp.arange(G, dtype=jnp.float32), jnp.arange(G, dtype=jnp.float32), indexing="ij")
    grid = jnp.stack([gx, gy], axis=-1).reshape(1, 1, G, G, 2)
    abs_xy = xy + grid
    abs_wh = jnp.exp(wh) * anchors_g.reshape(1, A, 1, 1, 2)
    abs_bbox = jnp.concatenate([abs_xy, abs_wh], axis=-1) / G
    abs_conf = jax.nn.sigmoid(conf)
    abs_cls = jax.nn.sigmoid(cls)
    out = jnp.concatenate(
        (
            abs_bbox.reshape(B, -1, 4),
            abs_conf.reshape(B, -1, 1),
            abs_cls.reshape(B, -1, C),
        ),
        axis=-1,
    )
    return out

if __name__ == "__main__":
    import jax
    _d = setup_inputs()
    print(jax.jit(kernel)(*tuple(_d.values())))

</pallas_src>

<mosaic_0001>
module attributes {stable_mosaic.version = 14 : i64} {
  func.func @_decode_body(%arg0: i32, %arg1: memref<6xf32, #tpu.memory_space<smem>>, %arg2: memref<4x52x16x255xf32, #tpu.memory_space<vmem>>, %arg3: memref<16x3x208x85xf32, #tpu.memory_space<vmem>>) attributes {dimension_semantics = [#tpu.dimension_semantics<arbitrary>], iteration_bounds = array<i64: 13>, scalar_prefetch = 1 : i64, scratch_operands = 0 : i64, tpu.core_type = #tpu.core_type<tc>, window_params = [{transform_indices = @transform_0, window_bounds = array<i64: 4, 52, 16, 255>}, {transform_indices = @transform_1, window_bounds = array<i64: 16, 3, 208, 85>}]} {
    %get3A = arith.constant 0 : index
    %get3A_0 = arith.constant 0 : index
    %get3A_1 = arith.constant 0 : index
    %get3A_2 = arith.constant 0 : index
    %get3A_3 = vector.load %arg2[%get3A, %get3A_0, %get3A_1, %get3A_2] : memref<4x52x16x255xf32, #tpu.memory_space<vmem>>, vector<4x52x16x255xf32>
    %iota3A = tpu.iota {dimensions = array<i32: 3>} : vector<4x52x16x255xi32>
    %jit3A = arith.constant 85 : i32
    %eq3A = arith.constant 0 : i32
    %eq3A_4 = arith.cmpi eq, %jit3A, %eq3A : i32
    %jit3A_5 = arith.constant 1 : i32
    %select_n3A = arith.select %eq3A_4, %jit3A_5, %jit3A : i32
    %rem3A = vector.broadcast %select_n3A : i32 to vector<4x52x16x255xi32>
    %rem3A_6 = arith.remsi %iota3A, %rem3A : vector<4x52x16x255xi32>
    %ne3A = arith.constant 0 : i32
    %ne3A_7 = vector.broadcast %ne3A : i32 to vector<4x52x16x255xi32>
    %ne3A_8 = arith.cmpi ne, %rem3A_6, %ne3A_7 : vector<4x52x16x255xi32>
    %lt3A = arith.constant 0 : i32
    %lt3A_9 = vector.broadcast %lt3A : i32 to vector<4x52x16x255xi32>
    %lt3A_10 = arith.cmpi slt, %rem3A_6, %lt3A_9 : vector<4x52x16x255xi32>
    %lt3A_11 = arith.constant 0 : i32
    %lt3A_12 = arith.cmpi slt, %select_n3A, %lt3A_11 : i32
    %ne3A_13 = vector.broadcast %lt3A_12 : i1 to vector<4x52x16x255xi1>
    %ne3A_14 = vector.broadcast %ne3A_13 : vector<4x52x16x255xi1> to vector<4x52x16x255xi1>
    %ne3A_15 = arith.xori %lt3A_10, %ne3A_14 : vector<4x52x16x255xi1>
    %and3A = arith.andi %ne3A_15, %ne3A_8 : vector<4x52x16x255xi1>
    %add3A = vector.broadcast %select_n3A : i32 to vector<4x52x16x255xi32>
    %add3A_16 = arith.addi %rem3A_6, %add3A : vector<4x52x16x255xi32>
    %select_n3A_17 = arith.select %and3A, %add3A_16, %rem3A_6 : vector<4x52x16x255xi1>, vector<4x52x16x255xi32>
    %iota3A_18 = tpu.iota {dimensions = array<i32: 1>} : vector<4x52x16x255xi32>
    %convert_element_type3A = arith.sitofp %iota3A_18 : vector<4x52x16x255xi32> to vector<4x52x16x255xf32>
    %iota3A_19 = tpu.iota {dimensions = array<i32: 0>} : vector<4x52x16x255xi32>
    %mul3A = arith.constant 4 : i32
    %mul3A_20 = arith.muli %mul3A, %arg0 : i32
    %add3A_21 = vector.broadcast %mul3A_20 : i32 to vector<4x52x16x255xi32>
    %add3A_22 = arith.addi %iota3A_19, %add3A_21 : vector<4x52x16x255xi32>
    %convert_element_type3A_23 = arith.sitofp %add3A_22 : vector<4x52x16x255xi32> to vector<4x52x16x255xf32>
    %eq3A_24 = arith.constant 0 : i32
    %eq3A_25 = vector.broadcast %eq3A_24 : i32 to vector<4x52x16x255xi32>
    %eq3A_26 = arith.cmpi eq, %select_n3A_17, %eq3A_25 : vector<4x52x16x255xi32>
    %select_n3A_27 = arith.select %eq3A_26, %convert_element_type3A, %convert_element_type3A_23 : vector<4x52x16x255xi1>, vector<4x52x16x255xf32>
    %lt3A_28 = arith.constant 85 : i32
    %lt3A_29 = vector.broadcast %lt3A_28 : i32 to vector<4x52x16x255xi32>
    %lt3A_30 = arith.cmpi slt, %iota3A, %lt3A_29 : vector<4x52x16x255xi32>
    %get3A_31 = arith.constant 0 : index
    %get3A_32 = memref.load %arg1[%get3A_31] : memref<6xf32, #tpu.memory_space<smem>>
    %lt3A_33 = arith.constant 170 : i32
    %lt3A_34 = vector.broadcast %lt3A_33 : i32 to vector<4x52x16x255xi32>
    %lt3A_35 = arith.cmpi slt, %iota3A, %lt3A_34 : vector<4x52x16x255xi32>
    %get3A_36 = arith.constant 2 : index
    %get3A_37 = memref.load %arg1[%get3A_36] : memref<6xf32, #tpu.memory_space<smem>>
    %get3A_38 = arith.constant 4 : index
    %get3A_39 = memref.load %arg1[%get3A_38] : memref<6xf32, #tpu.memory_space<smem>>
    %broadcast_in_dim3A = vector.broadcast %get3A_37 : f32 to vector<4x52x16x255xf32>
    %broadcast_in_dim3A_40 = vector.broadcast %get3A_39 : f32 to vector<4x52x16x255xf32>
    %select_n3A_41 = arith.select %lt3A_35, %broadcast_in_dim3A, %broadcast_in_dim3A_40 : vector<4x52x16x255xi1>, vector<4x52x16x255xf32>
    %broadcast_in_dim3A_42 = vector.broadcast %get3A_32 : f32 to vector<4x52x16x255xf32>
    %select_n3A_43 = arith.select %lt3A_30, %broadcast_in_dim3A_42, %select_n3A_41 : vector<4x52x16x255xi1>, vector<4x52x16x255xf32>
    %lt3A_44 = arith.constant 85 : i32
    %lt3A_45 = vector.broadcast %lt3A_44 : i32 to vector<4x52x16x255xi32>
    %lt3A_46 = arith.cmpi slt, %iota3A, %lt3A_45 : vector<4x52x16x255xi32>
    %get3A_47 = arith.constant 1 : index
    %get3A_48 = memref.load %arg1[%get3A_47] : memref<6xf32, #tpu.memory_space<smem>>
    %lt3A_49 = arith.constant 170 : i32
    %lt3A_50 = vector.broadcast %lt3A_49 : i32 to vector<4x52x16x255xi32>
    %lt3A_51 = arith.cmpi slt, %iota3A, %lt3A_50 : vector<4x52x16x255xi32>
    %get3A_52 = arith.constant 3 : index
    %get3A_53 = memref.load %arg1[%get3A_52] : memref<6xf32, #tpu.memory_space<smem>>
    %get3A_54 = arith.constant 5 : index
    %get3A_55 = memref.load %arg1[%get3A_54] : memref<6xf32, #tpu.memory_space<smem>>
    %broadcast_in_dim3A_56 = vector.broadcast %get3A_53 : f32 to vector<4x52x16x255xf32>
    %broadcast_in_dim3A_57 = vector.broadcast %get3A_55 : f32 to vector<4x52x16x255xf32>
    %select_n3A_58 = arith.select %lt3A_51, %broadcast_in_dim3A_56, %broadcast_in_dim3A_57 : vector<4x52x16x255xi1>, vector<4x52x16x255xf32>
    %broadcast_in_dim3A_59 = vector.broadcast %get3A_48 : f32 to vector<4x52x16x255xf32>
    %select_n3A_60 = arith.select %lt3A_46, %broadcast_in_dim3A_59, %select_n3A_58 : vector<4x52x16x255xi1>, vector<4x52x16x255xf32>
    %eq3A_61 = arith.constant 2 : i32
    %eq3A_62 = vector.broadcast %eq3A_61 : i32 to vector<4x52x16x255xi32>
    %eq3A_63 = arith.cmpi eq, %select_n3A_17, %eq3A_62 : vector<4x52x16x255xi32>
    %select_n3A_64 = arith.select %eq3A_63, %select_n3A_43, %select_n3A_60 : vector<4x52x16x255xi1>, vector<4x52x16x255xf32>
    %logistic3A = arith.negf %get3A_3 : vector<4x52x16x255xf32>
    %logistic3A_65 = math.exp %logistic3A : vector<4x52x16x255xf32>
    %logistic3A_66 = arith.constant 1.000000e+00 : f32
    %logistic3A_67 = vector.broadcast %logistic3A_66 : f32 to vector<4x52x16x255xf32>
    %logistic3A_68 = arith.addf %logistic3A_67, %logistic3A_65 : vector<4x52x16x255xf32>
    %logistic3A_69 = arith.divf %logistic3A_67, %logistic3A_68 : vector<4x52x16x255xf32>
    %sub3A = arith.constant 1.000000e+00 : f32
    %sub3A_70 = vector.broadcast %sub3A : f32 to vector<4x52x16x255xf32>
    %sub3A_71 = arith.subf %sub3A_70, %logistic3A_69 : vector<4x52x16x255xf32>
    %div3A = arith.divf %logistic3A_69, %sub3A_71 : vector<4x52x16x255xf32>
    %lt3A_72 = arith.constant 2 : i32
    %lt3A_73 = vector.broadcast %lt3A_72 : i32 to vector<4x52x16x255xi32>
    %lt3A_74 = arith.cmpi slt, %select_n3A_17, %lt3A_73 : vector<4x52x16x255xi32>
    %add3A_75 = arith.addf %logistic3A_69, %select_n3A_27 : vector<4x52x16x255xf32>
    %mul3A_76 = arith.constant 0.0192307699 : f32
    %mul3A_77 = vector.broadcast %mul3A_76 : f32 to vector<4x52x16x255xf32>
    %mul3A_78 = arith.mulf %add3A_75, %mul3A_77 : vector<4x52x16x255xf32>
    %lt3A_79 = arith.constant 4 : i32
    %lt3A_80 = vector.broadcast %lt3A_79 : i32 to vector<4x52x16x255xi32>
    %lt3A_81 = arith.cmpi slt, %select_n3A_17, %lt3A_80 : vector<4x52x16x255xi32>
    %mul3A_82 = arith.mulf %div3A, %select_n3A_64 : vector<4x52x16x255xf32>
    %select_n3A_83 = arith.select %lt3A_81, %mul3A_82, %logistic3A_69 : vector<4x52x16x255xi1>, vector<4x52x16x255xf32>
    %select_n3A_84 = arith.select %lt3A_74, %mul3A_78, %select_n3A_83 : vector<4x52x16x255xi1>, vector<4x52x16x255xf32>
    %reshape3A = vector.shape_cast %select_n3A_84 : vector<4x52x16x255xf32> to vector<208x16x255xf32>
    %transpose3A = tpu.transpose %reshape3A, [1, 0, 2] : vector<208x16x255xf32> -> vector<16x208x255xf32>
    %slice3A = vector.extract_strided_slice %transpose3A {offsets = [0, 0, 0], sizes = [16, 208, 85], strides = [1, 1, 1]} : vector<16x208x255xf32> to vector<16x208x85xf32>
    %swap3A = arith.constant 0 : index
    %swap3A_85 = arith.constant 0 : index
    %swap3A_86 = arith.constant 0 : index
    %swap3A_87 = arith.constant 0 : index
    %swap3A_88 = vector.load %arg3[%swap3A, %swap3A_85, %swap3A_86, %swap3A_87] : memref<16x3x208x85xf32, #tpu.memory_space<vmem>>, vector<16x1x208x85xf32>
    %swap3A_89 = vector.shape_cast %swap3A_88 : vector<16x1x208x85xf32> to vector<16x208x85xf32>
    %swap3A_90 = vector.shape_cast %slice3A : vector<16x208x85xf32> to vector<16x1x208x85xf32>
    tpu.vector_store %arg3[%swap3A, %swap3A_85, %swap3A_86, %swap3A_87], %swap3A_90 {strides = array<i32>} : memref<16x3x208x85xf32, #tpu.memory_space<vmem>>, vector<16x1x208x85xf32>,
    %slice3A_91 = vector.extract_strided_slice %transpose3A {offsets = [0, 0, 85], sizes = [16, 208, 85], strides = [1, 1, 1]} : vector<16x208x255xf32> to vector<16x208x85xf32>
    %swap3A_92 = arith.constant 0 : index
    %swap3A_93 = arith.constant 1 : index
    %swap3A_94 = arith.constant 0 : index
    %swap3A_95 = arith.constant 0 : index
    %swap3A_96 = vector.load %arg3[%swap3A_92, %swap3A_93, %swap3A_94, %swap3A_95] : memref<16x3x208x85xf32, #tpu.memory_space<vmem>>, vector<16x1x208x85xf32>
    %swap3A_97 = vector.shape_cast %swap3A_96 : vector<16x1x208x85xf32> to vector<16x208x85xf32>
    %swap3A_98 = vector.shape_cast %slice3A_91 : vector<16x208x85xf32> to vector<16x1x208x85xf32>
    tpu.vector_store %arg3[%swap3A_92, %swap3A_93, %swap3A_94, %swap3A_95], %swap3A_98 {strides = array<i32>} : memref<16x3x208x85xf32, #tpu.memory_space<vmem>>, vector<16x1x208x85xf32>,
    %slice3A_99 = vector.extract_strided_slice %transpose3A {offsets = [0, 0, 170], sizes = [16, 208, 85], strides = [1, 1, 1]} : vector<16x208x255xf32> to vector<16x208x85xf32>
    %swap3A_100 = arith.constant 0 : index
    %swap3A_101 = arith.constant 2 : index
    %swap3A_102 = arith.constant 0 : index
    %swap3A_103 = arith.constant 0 : index
    %swap3A_104 = vector.load %arg3[%swap3A_100, %swap3A_101, %swap3A_102, %swap3A_103] : memref<16x3x208x85xf32, #tpu.memory_space<vmem>>, vector<16x1x208x85xf32>
    %swap3A_105 = vector.shape_cast %swap3A_104 : vector<16x1x208x85xf32> to vector<16x208x85xf32>
    %swap3A_106 = vector.shape_cast %slice3A_99 : vector<16x208x85xf32> to vector<16x1x208x85xf32>
    tpu.vector_store %arg3[%swap3A_100, %swap3A_101, %swap3A_102, %swap3A_103], %swap3A_106 {strides = array<i32>} : memref<16x3x208x85xf32, #tpu.memory_space<vmem>>, vector<16x1x208x85xf32>,
    return
  }
  func.func @transform_0(%arg0: i32, %arg1: memref<6xf32, #tpu.memory_space<smem>>) -> (i32, i32, i32, i32) {
    %c0_i32 = arith.constant 0 : i32
    %c0_i32_0 = arith.constant 0 : i32
    %c0_i32_1 = arith.constant 0 : i32
    %c0_i32_2 = arith.constant 0 : i32
    return %arg0, %c0_i32, %c0_i32_0, %c0_i32_1 : i32, i32, i32, i32
  }
  func.func @transform_1(%arg0: i32, %arg1: memref<6xf32, #tpu.memory_space<smem>>) -> (i32, i32, i32, i32) {
    %c0_i32 = arith.constant 0 : i32
    %c0_i32_0 = arith.constant 0 : i32
    %c0_i32_1 = arith.constant 0 : i32
    %c0_i32_2 = arith.constant 0 : i32
    return %c0_i32, %c0_i32_0, %arg0, %c0_i32_1 : i32, i32, i32, i32
  }
}

</mosaic_0001>

<sc_bundles>
// kernel: sparse-core-data-format-call.cloned.1.call-start
scs
called_computation_lowered:
.L_overlay_start_0:
0x0: {  	s2 =	sld [smem:$0x3FD9]  }
0x1: {  	s3 =	sld [smem:$0x3FFE];
	_ =	sdelay $0x1  }
0x2: {  	s1 =	srdreg.scid  }
0x3: {  	s0 =	sand.u32 $0x1, s1  }
0x4: {  	s18 =	sshll.u32 s0, $0xA;
	s2 =	sadd.s32 s3, s2  }
0x5: {  	s2 =	sadd.s32 s2, s18  }
0x6: {  	[smem:$0x3FC6] =	sst s2  }
0x7: {  	_ = 	snop  }
0x8: {  	s2 =	sld [smem:$0x3FD0];
	(tm) =	ssettm $0x1  }
0x9: {  	s19 =	sld [smem:$0x3FFB];
	_ =	sdelay $0x3  }
0xa: {  	_ =	strace s19  }
0xb: {  	s3 =	sld [smem:$0x3FFC];
	_ =	sdelay $0x3  }
0xc: {  	_ =	strace s3  }
0xd: {  	s3 =	sld [smem:$0x3FFD];
	_ =	sdelay $0x3  }
0xe: {  	_ =	strace s3  }
0xf: {  	_ =	strace $0x8FFFFFFF  }
0x10: {  	s20 =	sld [smem:$0x3FDB];
	_ =	sdelay $0x1  }
0x11: {  	s4 =	simm.s32 $_scs_section_size  }
0x12: {  	s5 =	simm.s32 $_size__tile_overlayer_lowered;
	s6 =	simm.s32 $_tile_overlayer_lowered  }
0x13: {  	s23 =	simm.s32 $0x1BFF;
	s22 =	sshll.u32 s6, $0x1;
	s3 =	sadd.s32 s4, s20  }
0x14: {  	s7 =	simm.s32 $0x0;
	s21 =	sshll.u32 s5, $0x1;
	s5 =	sadd.s32 s22, s3  }
0x15: {  	[timem:s7], [sflag:s23] =	dma.local [hbm:s5], s21  }
0x16: {  	_ =	swait.ge [sflag:s23], s21  }
0x17: {  	s4 =	ssub.s32 $0x0, s21;
	[sflag:s23] =	ssyncset.done $0x0  }
0x18: {  	[sflag:s23] =	ssyncadd.s32 s4;
	_ =	sdelay $0x1  }
0x19: {  	s24 =	simm.s32 $0x1B8B  }
0x1a: {  	_ =	swait.ge [sflag:s24], $0x1  }
0x1b: {  	[sflag:s24] =	ssyncset.done $0x0  }
0x1c: {  	s26 =	simm.s32 $0x1B8E;
	s25 =	sld [smem:$0x3FFE];
	[sflag:s24] =	ssyncadd.s32 $0xFFFFFFFF  }
0x1d: {  	s27 =	simm.s32 $execute0_lowered;
	[smem:$0x3FD2] =	sst s26  }
0x1e: {  	s5 =	sshll.u32 s27, $0x1;
	_ =	strace $0x80000046;
	[dreg:$0x1] =	wrdreg $0xFFFFFFFF  }
0x1f: {  	s28 =	simm.s32 $_size_execute0_lowered;
	s3 =	sadd.s32 s3, s5;
	[dreg:$0x0] =	wrdreg $0x0  }
0x20: {  	s5 =	sshll.u32 s28, $0x1;
	[dreg:$0x2] =	wrdreg s3  }
0x21: {  	[dreg:$0x3] =	wrdreg s5  }
0x22: {  	[dreg:$0x4] =	wrdreg $0xC0  }
0x23: {  	_ =	task [dreg:s7], $0x5FFFF  }
0x24: {  	[dreg:$0x1] =	wrdreg $0xFFFFFFFF  }
0x25: {  	[dreg:$0x0] =	wrdreg $0x60  }
0x26: {  	[dreg:$0x2] =	wrdreg s25  }
0x27: {  	[dreg:$0x3] =	wrdreg s2  }
0x28: {  	[dreg:$0x4] =	wrdreg $0x9  }
0x29: {  	_ =	task.clear_ibuf [dreg:s7], $0x5FFFF;
	_ =	strace $0x90000046  }
0x2a: {  	s29 =	simm.s32 $0x9;
	_ =	strace $0x80000048  }
0x2b: {  	_ =	swait.ge [sflag:s29], $0x1  }
0x2c: {  	[sflag:s29] =	ssyncadd.s32 $0xFFFFFFFF  }
0x2d: {  	_ =	strace $0x90000048  }
0x2e: {  	_ =	sfence  }
0x2f: {  	s30 =	sld [smem:$0x0];
	_ =	sdelay $0x2  }
0x30: {  	s31 =	sshll.u32 s1, $0xD;
	s1 =	sshrl.u32 s1, $0x2  }
0x31: {  	s3 =	sand.u32 $0x4000, s31;
	s1 =	sadd.s32 s1, s30  }
0x32: {  	s0 =	sor.u32 s3, s0;
	s1 =	sshll.u32 s1, $0x11  }
0x33: {  	s0 =	sor.u32 s1, s0  }
0x34: {  	s0 =	sadd.s32 $0x8F2B, s0  }
0x35: {  	[sflag:s0] =	ssyncadd.remote.s32 $0x1  }
0x36: {  	_ =	sfence.sel $0xFFFF  }
0x37: {  	[dreg:$0x0] =	wrdreg $0xFFFFFFFF;
	(pc) =	sbr.abs _section_cstart, $3  }
0x38: {  	[dreg:$0x1] =	wrdreg $0xFFFFFFFF  }
0x39: {  	_ =	task.clear_ibuf [dreg:s7], $0x2FFFF;
	_ =	strace $0x9FFFFFFF  }
0x3a: {  	(tm) =	ssettm $0x7FFFFFFF  }
0x3b: {  	_ =	shalt  }
tec
execute0_lowered:
.L_overlay_start_1:
0x0: {  	(tag) =	ssettag $0x1  }
0x1: {  	s0 =	rddreg [dreg:$0x0];
	_ =	strace $0x80000047  }
0x2: {  	s17 =	stileid.u32;
	s31 =	srdreg.scid;
	s4 =	simm.s32 $0x1  }
.Ltmp0:
0x3: {  	s2 =	simm.s32 $0x2;
	s12 =	simm.s32 $0x0;
	(pc) =	sbr.rel .LBB1_1-.Ltmp0, $4  }
0x4: {  	s13 =	simm.s32 $0x0;
	s8 =	simm.s32 $0x0;
	s10 =	simm.s32 $0x0  }
0x5: {  	s11 =	stileid.u32;
	s3 =	sadd.s32 $0x400, s0;
	s0 =	sshll.u32 s31, $0x7  }
0x6: {  	s7 =	simm.s32 $0x0;
	[sflag:s4] =	ssyncpa.u1 $0x0;
	s5 =	sand.u32 $0x80, s0  }
0x7: {  	s21 =	simm.s32 $0x0;
	[sflag:s2] =	ssyncpa.u1 $0x0;
	s9 =	smov.u32 s5  }
.LBB1_11:
0x8: {  	p0 =	sgt.s32 s8, $0x1F80;
	s0 =	smov.u32 s8  }
0x9: {  	s1 =	sand.u32 $0x78, s8;
	s6 =	sshll.u32 s10, $0xD;
	s0 =	simm.s32 @!p0 $0x1F80  }
0xa: {  	s25 =	sshll.u32 s10, $0x7;
	s26 =	sshll.u32 s8, $0x3;
	s0 =	sadd.s32 s15, s0  }
0xb: {  	s28 =	sand.u32 $0x7, s8;
	s29 =	sor.u32 $0x8000, s16;
	s2 =	sadd.s32 $0xFFFFE080, s0  }
0xc: {  	s24 =	sand.u32 $0x10000, s6;
	s0 =	ssub.s32 $0x2000, s0;
	p0 =	sgt.s32 s2, $0x7F  }
0xd: {  	s6 =	sand.u32 $0x380, s25;
	s27 =	sand.u32 $0x1C00, s26;
	s0 =	simm.s32 @p0 $0x0  }
0xe: {  	s1 =	sor.u32 s6, s1;
	s2 =	sadd.s32 s24, s26;
	s0 =	smul.u32 s0, s14  }
0xf: {  	s30 =	rddreg [dreg:$0x1];
	s1 =	sor.u32 s27, s1;
	s2 =	sand.u32 $0x1E000, s2  }
0x10: {  	s31 =	simm.s32 $0x20000;
	s1 =	sor.u32 s2, s1;
	s0 =	smul.u32 $0x55, s0  }
0x11: {  	s17 =	stileid.u32;
	s2 =	sshll.u32 s28, $0x12;
	s1 =	sshrl.u32 s1, $0x3  }
0x12: {  	s2 =	sor.u32 $0x80, s2;
	s1 =	sadd.s32 s30, s1;
	s0 =	sand.u32 $0x3FFFFFFF, s0  }
0x13: {  	[hbm4b:s1+s2] =	stream.strided.scatter [tilespmem:s29], [sflag:$0x2], s0, s31, s2, $0x20;
	[tilespmem:$0x10100] =	vst v63  }
.LBB1_12:
0x14: {  	p0 =	slt.u32 s7, $0x2  }
0x15: {  	s1 =	smov.u32 s13;
	s2 =	smov.u32 s12;
	p1 =	sgt.s32 @!p0 s13, $0xF  }
0x16: {  	s0 =	sshra.s32 @!p0 s13, $0x1F;
	p2 =	sgt.s32 @!p0 s12, $0x1F80;
	s6 =	sshra.s32 @!p0 s12, $0x1F  }
0x17: {  	p1 =	por !p1, p0;
	s0 =	sand.u32 @!p0 s0, s13;
	p2 =	por !p2, p0  }
0x18: {  	s6 =	sand.u32 @!p0 s6, s12;
	s1 =	simm.s32 @p1 $0xF;
	s2 =	simm.s32 @p2 $0x1F80  }
0x19: {  	s0 =	ssub.s32 @!p0 s1, s0;
	s1 =	ssub.s32 @!p0 s2, s6  }
0x1a: {  	s2 =	sadd.s32 @!p0 $0xFFFFFFF1, s0;
	s0 =	ssub.s32 @!p0 $0x10, s0;
	s6 =	sadd.s32 @!p0 $0xFFFFE080, s1  }
0x1b: {  	p1 =	sgt.s32 @!p0 s2, $0x0;
	s0 =	smul.u32 @!p0 $0x55, s0;
	p2 =	sgt.s32 @!p0 s6, $0x7F  }
0x1c: {  	s1 =	ssub.s32 @!p0 $0x2000, s1;
	p1 =	por !p1, p0;
	p2 =	por !p2, p0  }
0x1d: {  	s0 =	simm.s32 @!p1 $0x0;
	s1 =	simm.s32 @!p2 $0x0  }
0x1e: {  	s0 =	smul.u32 @!p0 s1, s0;
	s1 =	sadd.s32 $0x100, s9  }
0x1f: {  	s14 =	smov.u32 s11;
	s6 =	sadd.s32 $0x10, s11;
	p1 =	sgt.s32 s1, $0x1FAF  }
0x20: {  	s14 =	smov.u32 @p1 s6  }
0x21: {  	s7 =	sadd.s32 $0x1, s7;
	s1 =	smov.u32 @p1 s5;
	p1 =	sgt.s32 s14, $0xF  }
0x22: {  	s14 =	smov.u32 @p1 s17;
	p1 =	sne.s32 s7, $0x22  }
.Ltmp1:
0x23: {  	_ = 	snop;
	(pc) =	sbr.rel @!p1 .LBB1_13-.Ltmp1, $4  }
0x24: {  	s12 =	smov.u32 s8;
	s2 =	simm.s32 @!p0 $0x2;
	s0 =	sand.u32 @!p0 $0x3FFFFFFF, s0  }
0x25: {  	s13 =	smov.u32 s10;
	s8 =	smov.u32 s9;
	_ =	swait.ge @!p0 [sflag:s2], s0  }
0x26: {  	s10 =	smov.u32 s11;
	s0 =	ssub.s32 @!p0 $0x0, s0;
	[sflag:s2] =	ssyncset.done @!p0 $0x0  }
0x27: {  	s9 =	smov.u32 s1;
	[sflag:s2] =	ssyncadd.s32 @!p0 s0;
	s11 =	smov.u32 s14  }
.LBB1_1:
0x28: {  	p0 =	sgt.u32 s7, $0x1F;
	s2 =	smov.u32 s11  }
0x29: {  	s15 =	smov.u32 s9;
	p1 =	sgt.s32 @!p0 s11, $0xF;
	s0 =	sand.u32 @!p0 $0x1FFFFFF, s9  }
0x2a: {  	s14 =	sshra.s32 @!p0 s11, $0x1F;
	s16 =	sshra.s32 @!p0 s9, $0x1F;
	p1 =	por !p1, p0  }
0x2b: {  	s6 =	smulhi.u32 @!p0 $0x102865, s0;
	s2 =	simm.s32 @p1 $0xF;
	p1 =	sgt.s32 @!p0 s9, $0x1F30  }
0x2c: {  	s14 =	sand.u32 @!p0 s14, s11;
	s16 =	sand.u32 @!p0 s16, s9;
	p1 =	por !p1, p0  }
0x2d: {  	s2 =	ssub.s32 @!p0 s2, s14;
	s6 =	sshrl.u32 @!p0 s6, $0x1;
	s15 =	simm.s32 @p1 $0x1F30  }
0x2e: {  	s2 =	sadd.s32 @!p0 $0xFFFFFFF1, s2;
	s6 =	smul.u32 @!p0 $0x1FB0, s6;
	s14 =	ssub.s32 @!p0 s15, s16  }
0x2f: {  	p1 =	sgt.s32 @!p0 s2, $0x0;
	s2 =	sshll.u32 @!p0 s2, $0x7;
	s15 =	sadd.s32 @!p0 $0xFFFFE0D0, s14  }
0x30: {  	s16 =	smul.u32 @!p0 $0x1FB00, s11;
	s14 =	ssub.s32 @!p0 $0x1FB0, s14;
	p2 =	sgt.s32 @!p0 s15, $0x7F  }
0x31: {  	s2 =	ssub.s32 @!p0 $0x80, s2;
	p1 =	por !p1, p0;
	p2 =	por !p2, p0  }
0x32: {  	s15 =	sxor.u32 @!p0 $0xFFFFFFFF, s7;
	s2 =	simm.s32 @!p1 $0x0;
	s14 =	simm.s32 @!p2 $0x0  }
0x33: {  	s0 =	ssub.s32 @!p0 s0, s6;
	s6 =	sshll.u32 @!p0 s15, $0xE;
	s2 =	smul.u32 @!p0 s14, s2  }
0x34: {  	s0 =	sshll.u32 @!p0 s0, $0x4;
	s6 =	sand.u32 @!p0 $0x4000, s6;
	s14 =	sadd.s32 @!p0 s3, s16  }
0x35: {  	s0 =	sadd.s32 @!p0 s0, s14;
	s14 =	simm.s32 @!p0 $0x0;
	s2 =	sand.u32 @!p0 $0x3FFFFF80, s2  }
0x36: {  	[tilespmem:s6], [sflag:$0x1] =	stream.linear.gather @!p0 [hbm4b:s0+s14], s2, $0x38;
	[tilespmem:$0x10100] =	vst v63  }
0x37: {  	p0 =	seq.s32 s7, $0x0  }
0x38: {  	p1 =	seq.s32 @!p0 s7, $0x21  }
0x39: {  	p0 =	por p0, p1  }
.Ltmp2:
0x3a: {  	_ = 	snop;
	(pc) =	sbr.rel @p0 .LBB1_12-.Ltmp2, $1  }
0x3b: {  	_ =	sdelay $0x3  }
0x3c: {  	p0 =	sgt.s32 s10, $0xF  }
0x3d: {  	s0 =	smov.u32 s10;
	s2 =	sshra.s32 s10, $0x1F;
	s6 =	ssub.s32 $0x0, s8  }
0x3e: {  	s14 =	sshra.s32 s8, $0x1F;
	s0 =	simm.s32 @!p0 $0xF;
	s2 =	sand.u32 s2, s10  }
0x3f: {  	s16 =	smov.u32 s8;
	p0 =	sgt.s32 s8, $0x1F30;
	s0 =	ssub.s32 s0, s2  }
0x40: {  	s15 =	sand.u32 s6, s14;
	s16 =	simm.s32 @!p0 $0x1F30;
	s2 =	sadd.s32 $0xFFFFFFF1, s0  }
0x41: {  	s6 =	sadd.s32 s15, s16;
	s14 =	ssub.s32 $0x10, s0;
	p0 =	sgt.s32 s2, $0x0  }
0x42: {  	s30 =	sadd.s32 $0xFFFFE0D0, s6;
	s0 =	ssub.s32 $0x1FB0, s6;
	s2 =	sadd.s32 $0x1, s10  }
0x43: {  	s6 =	sadd.s32 $0x80, s8;
	s14 =	simm.s32 @p0 $0x0;
	p0 =	slt.s32 s2, $0x10  }
0x44: {  	s2 =	simm.s32 @!p0 $0x10;
	p0 =	slt.s32 s6, $0x1FB0  }
0x45: {  	p1 =	sgt.s32 s30, $0x7F;
	s17 =	ssub.s32 s2, s10;
	s6 =	simm.s32 @!p0 $0x1FB0  }
0x46: {  	s0 =	simm.s32 @p1 $0x0;
	s18 =	ssub.s32 s6, s8;
	p0 =	slt.s32 s17, $0x1  }
0x47: {  	s0 =	smul.u32 s0, s14;
	p1 =	slt.s32 @!p0 s18, $0x1  }
0x48: {  	p1 =	por p0, p1  }
.Ltmp3:
0x49: {  	s0 =	sshll.u32 s0, $0x7;
	(pc) =	sbr.rel @p1 .LBB1_11-.Ltmp3, $4  }
0x4a: {  	s31 =	sand.u32 $0x3FFFFF80, s0  }
0x4b: {  	_ =	swait.ge [sflag:s4], s31  }
0x4c: {  	s0 =	sand.u32 $0x1, s7;
	s2 =	ssub.s32 $0x0, s31;
	[sflag:s4] =	ssyncset.done $0x0  }
0x4d: {  	s16 =	smul.u32 $0x4080, s0;
	[sflag:s4] =	ssyncadd.s32 s2  }
0x4e: {  	_ = 	snop  }
0x4f: {  	s19 =	sshll.u32 @!p0 s0, $0xE;
	s22 =	simm.s32 $0x0;
	s20 =	sor.u32 @!p0 $0x8000, s16  }
.LBB1_4:
0x50: {  	s0 =	sshll.u32 s22, $0x10  }
0x51: {  	s0 =	sshra.s32 s0, $0x2  }
0x52: {  	s0 =	sadd.s32 s0, s19  }
0x53: {  	v0 =	vmov s0;
	_ =	sdelay $0x2  }
0x54: {  	s30 =	sand.u32 $0x7, s22  }
0x55: {  	s31 =	sand.u32 $0x3F80, s21;
	p1 =	sne.s32 s18, $0x1;
	s0 =	smul.u32 $0x204, s30  }
.Ltmp4:
0x56: {  	v11 =	vld.idx.msk [tilespmem:v0+s31+$0x0 ss:$0x1], $0xffff;
	(pc) =	sbr.rel @!p1 .LBB1_5-.Ltmp4, $4  }
0x57: {  	s2 =	simm.s32 $0x1;
	s0 =	sshrl.u32 s0, $0x2;
	v8 =	vld.idx.msk [tilespmem:v0+s31+$0x10 ss:$0x1], $0xffff  }
0x58: {  	s6 =	simm.s32 $0x80;
	p0 =	por $0x0, $0x0;
	s28 =	sadd.s32 s0, s20;
	v9 =	vld.idx.msk [tilespmem:v0+s31+$0x20 ss:$0x1], $0xffff  }
0x59: {  	s0 =	sand.u32 $0x7F, s21;
	s26 =	sadd.s32 $0x810, s28;
	s27 =	sadd.s32 $0x1020, s28;
	v10 =	vld.idx.msk [tilespmem:v0+s31+$0x30 ss:$0x1], $0xffff  }
0x5a: {  	s25 =	sadd.s32 $0x1830, s28;
	s24 =	sadd.s32 $0x2040, s28;
	s23 =	sadd.s32 $0x2850, s28;
	v7 =	vld.idx.msk [tilespmem:v0+s31+$0x40 ss:$0x1], $0xffff  }
0x5b: {  	_ =	sdelay $0x3  }
0x5c: {  	s30 =	sand.u32 $0x3F80, s6;
	s1 =	sadd.s32 s0, s28;
	v1 =	vld.idx.msk [tilespmem:v0+s31+$0x50 ss:$0x1], $0xffff;
	p1 =	sne.s32 s18, $0x2  }
.Ltmp5:
0x5d: {  	v2 =	vld.idx.msk [tilespmem:v0+s30+$0x0 ss:$0x1], $0xffff;
	[tilespmem:s1+$0x0 ss:$0x81] =	vst.msk $0xffff, v11;
	s1 =	sadd.s32 s0, s26;
	(pc) =	sbr.rel @!p1 .LBB1_7-.Ltmp5, $4  }
0x5e: {  	v3 =	vld.idx.msk [tilespmem:v0+s30+$0x10 ss:$0x1], $0xffff;
	[tilespmem:s1+$0x0 ss:$0x81] =	vst.msk $0xffff, v8;
	s1 =	sadd.s32 s0, s27  }
0x5f: {  	v4 =	vld.idx.msk [tilespmem:v0+s30+$0x20 ss:$0x1], $0xffff;
	[tilespmem:s1+$0x0 ss:$0x81] =	vst.msk $0xffff, v9;
	s1 =	sadd.s32 s0, s25  }
0x60: {  	s31 =	simm.s32 $0x2;
	s29 =	sand.u32 $0x7F, s2;
	v5 =	vld.idx.msk [tilespmem:v0+s30+$0x30 ss:$0x1], $0xffff;
	[tilespmem:s1+$0x0 ss:$0x81] =	vst.msk $0xffff, v10;
	s1 =	sadd.s32 s0, s24  }
0x61: {  	s2 =	simm.s32 $0x100;
	s6 =	sadd.s32 s0, s23;
	p0 =	por $0x1, $0x1;
	v6 =	vld.idx.msk [tilespmem:v0+s30+$0x40 ss:$0x1], $0xffff;
	[tilespmem:s1+$0x0 ss:$0x81] =	vst.msk $0xffff, v7  }
.LBB1_8:
0x62: {  	s1 =	smov.u32 s31;
	s31 =	sadd.s32 $0x1, s31  }
0x63: {  	s0 =	sadd.s32 s29, s28;
	[tilespmem:s6+$0x0 ss:$0x81] =	vst.msk $0xffff, v1;
	v1 =	vld.idx.msk [tilespmem:v0+s30+$0x50 ss:$0x1], $0xffff;
	s30 =	sand.u32 $0x3F80, s2;
	p1 =	sne.s32 s18, s31  }
.Ltmp6:
0x64: {  	[tilespmem:s0+$0x0 ss:$0x81] =	vst.msk $0xffff, v2;
	v2 =	vld.idx.msk [tilespmem:v0+s30+$0x0 ss:$0x1], $0xffff;
	s0 =	sadd.s32 s29, s26;
	(pc) =	sbr.rel @p1 .LBB1_8-.Ltmp6, $4  }
0x65: {  	[tilespmem:s0+$0x0 ss:$0x81] =	vst.msk $0xffff, v3;
	v3 =	vld.idx.msk [tilespmem:v0+s30+$0x10 ss:$0x1], $0xffff;
	s0 =	sadd.s32 s29, s27  }
0x66: {  	[tilespmem:s0+$0x0 ss:$0x81] =	vst.msk $0xffff, v4;
	v4 =	vld.idx.msk [tilespmem:v0+s30+$0x20 ss:$0x1], $0xffff;
	s0 =	sadd.s32 s29, s25  }
0x67: {  	[tilespmem:s0+$0x0 ss:$0x81] =	vst.msk $0xffff, v5;
	v5 =	vld.idx.msk [tilespmem:v0+s30+$0x30 ss:$0x1], $0xffff;
	s0 =	sadd.s32 s29, s24  }
0x68: {  	s2 =	sadd.s32 $0x80, s2;
	s6 =	sadd.s32 s29, s23;
	s29 =	sand.u32 $0x7F, s1;
	[tilespmem:s0+$0x0 ss:$0x81] =	vst.msk $0xffff, v6;
	v6 =	vld.idx.msk [tilespmem:v0+s30+$0x40 ss:$0x1], $0xffff  }
0x69: {  	_ =	sdelay $0x3  }
0x6a: {  	s0 =	smov.u32 s29;
	s31 =	smov.u32 s30;
	v11 =	vmovc v2;
	v8 =	vmovc v3;
	v9 =	vmov v4;
	v10 =	vmov v5;
	v7 =	vmov v6  }
.LBB1_10:
0x6b: {  	_ =	sdelay $0x2  }
0x6c: {  	s1 =	sadd.s32 s0, s28;
	[tilespmem:s6+$0x0 ss:$0x81] =	vst.msk @p0 $0xffff, v1;
	s22 =	sadd.s32 $0x1, s22  }
0x6d: {  	v0 =	vld.idx.msk [tilespmem:v0+s31+$0x50 ss:$0x1], $0xffff;
	s26 =	sadd.s32 s0, s26;
	[tilespmem:s1+$0x0 ss:$0x81] =	vst.msk $0xffff, v11;
	p0 =	sne.s32 s22, s17  }
.Ltmp7:
0x6e: {  	s28 =	sadd.s32 s0, s27;
	[tilespmem:s26+$0x0 ss:$0x81] =	vst.msk $0xffff, v8;
	(pc) =	sbr.rel @p0 .LBB1_4-.Ltmp7, $4  }
.Ltmp8:
0x6f: {  	s29 =	sadd.s32 s0, s25;
	[tilespmem:s28+$0x0 ss:$0x81] =	vst.msk $0xffff, v9;
	(pc) =	sbr.rel @!p0 .LBB1_11-.Ltmp8, $4  }
0x70: {  	s30 =	sadd.s32 s0, s24;
	[tilespmem:s29+$0x0 ss:$0x81] =	vst.msk $0xffff, v10  }
0x71: {  	s31 =	sadd.s32 s0, s23;
	[tilespmem:s30+$0x0 ss:$0x81] =	vst.msk $0xffff, v7  }
0x72: {  	[tilespmem:s31+$0x0 ss:$0x81] =	vst.msk $0xffff, v0  }
0x73: {  	_ = 	snop  }
.LBB1_5:
.Ltmp9:
0x74: {  	(pc) =	sbr.rel .LBB1_10-.Ltmp9, $2  }
0x75: {  	_ =	sdelay $0x2  }
0x76: {  	_ = 	snop  }
.LBB1_7:
.Ltmp10:
0x77: {  	_ = 	snop;
	(pc) =	sbr.rel .LBB1_10-.Ltmp10, $2  }
0x78: {  	_ =	sdelay $0x2  }
0x79: {  	s0 =	smov.u32 s29;
	s31 =	smov.u32 s30;
	v11 =	vmovc v2;
	v8 =	vmovc v3;
	v9 =	vmov v4;
	v10 =	vmov v5;
	v7 =	vmov v6  }
.LBB1_13:
0x7a: {  	_ =	sfence.sel $0x180000  }
0x7b: {  	s0 =	simm.s32 $0x1;
	[bflag:$0x0] =	sbarrier.arrive $0xFFFF  }
0x7c: {  	s31 =	simm.s32 $0x2;
	[sflag:s0] =	ssyncpa.u1 $0x1  }
0x7d: {  	[sflag:s31] =	ssyncpa.u1 $0x1  }
0x7e: {  	_ =	strace $0x90000047  }
0x7f: {  	[bflag:$0x2] =	sbarrier.arrive $0xFFFF  }
0x80: {  	p0 =	sne.s32 s17, $0x0;
	s0 =	rddreg [dreg:$0x2]  }
0x81: {  	s0 =	sadd.s32 @!p0 $0x100000, s0  }
0x82: {  	[sflag:s0] =	ssyncadd.tile.s32 @!p0 $0x1;
	_ =	shalt  }
.Lfunc_end1:
_tile_overlayer_lowered:
.L_overlay_start_2:
0x83: {  	(tag) =	ssettag $0x2  }
0x84: {  	s0 =	rddreg [dreg:$0x0];
	s2 =	stileid.u32  }
0x85: {  	s1 =	rddreg [dreg:$0x1];
	p0 =	sne.s32 s2, $0x0  }
0x86: {  	s3 =	rddreg [dreg:$0x2];
	[bflag:$0x3] =	sbarrier.arrive $0xFFFF;
	s2 =	simm.s32 @!p0 $0x1C01  }
0x87: {  	[timem:s3], [sflag:s2] =	dma.local @!p0 [hbm:s0], s1  }
0x88: {  	s0 =	simm.s32 @!p0 $0x1  }
0x89: {  	_ =	swait.ge @!p0 [sflag:s0], s1  }
0x8a: {  	s1 =	ssub.s32 @!p0 $0x0, s1;
	[sflag:s0] =	ssyncset.done @!p0 $0x0  }
0x8b: {  	[sflag:s0] =	ssyncadd.s32 @!p0 s1  }
0x8c: {  	[bflag:$0x3] =	sbarrier.arrive $0xFFFF  }
0x8d: {  	_ =	shalt  }

</sc_bundles>
